<compile_context>
chip_gen: v7x
topology: tpu7x:2x2x1
jax: 0.10.2.dev20260603
libtpu: 0.0.44.dev20260713+nightly
codegen_flags: <defaults>
</compile_context>

<pallas_src>
import functools

import jax
import jax.numpy as jnp
import numpy as np
from jax import lax
from jax.experimental import pallas as pl
from jax.experimental.pallas import tpu as pltpu
from jax.experimental.pallas import tpu_sc as plsc

_NC = 2
_NS = 16
_VB = 16384
_LOG2VB = 14
_CH = 256


def _transpose_body(tt_ref, out_ref):
    x = tt_ref[...]
    D = x.shape[0]
    y = x.T
    h = _VB // 2
    out_ref[:, :D] = y[:h]
    out_ref[:, D:] = y[h:]


def _tc_transpose(tt):
    D, V = tt.shape
    nblk = (V + _VB - 1) // _VB
    return pl.pallas_call(
        _transpose_body,
        grid=(nblk,),
        in_specs=[pl.BlockSpec((D, _VB), lambda i: (0, i))],
        out_specs=pl.BlockSpec((_VB // 2, 2 * D), lambda i: (i, 0)),
        out_shape=jax.ShapeDtypeStruct((nblk * _VB // 2, 2 * D), jnp.float32),
    )(tt)


def _sc_gather(tr2, idx1, idx2, D):
    P = tr2.shape[0]
    B = idx1.shape[0]
    NW = _NC * _NS
    bpw = B // NW
    L = 16
    mesh = plsc.VectorSubcoreMesh(core_axis_name="c", subcore_axis_name="s")

    @functools.partial(
        pl.kernel,
        out_type=(
            jax.ShapeDtypeStruct((B, 2 * D), jnp.float32),
            jax.ShapeDtypeStruct((B, 2 * D), jnp.float32),
        ),
        mesh=mesh,
        compiler_params=pltpu.CompilerParams(needs_layout_passes=False),
        scratch_types=[
            pltpu.VMEM((bpw,), jnp.int32),
            pltpu.VMEM((_CH,), jnp.int32),
            pltpu.VMEM((_CH,), jnp.int32),
            pltpu.VMEM((_CH, 2 * D), jnp.float32),
            pltpu.VMEM((_CH, 2 * D), jnp.float32),
            pltpu.SemaphoreType.DMA,
            pltpu.SemaphoreType.DMA,
        ],
    )
    def gather_k(tr2_hbm, idx1_hbm, idx2_hbm, out1_hbm, out2_hbm,
                 idx_v, pidx0_v, pidx1_v, g0_v, g1_v, sem0, sem1):
        wid = lax.axis_index("s") * _NC + lax.axis_index("c")
        base = wid * bpw
        pidx = (pidx0_v, pidx1_v)
        gbuf = (g0_v, g1_v)
        sems = (sem0, sem1)
        nch = bpw // _CH

        def one_side(idx_hbm, out_hbm):
            pltpu.sync_copy(idx_hbm.at[pl.ds(base, bpw)], idx_v)

            def fire(ch):
                k = ch % 2

                def shift_body(g, _):
                    v16 = idx_v[pl.ds(ch * _CH + g * L, L)]
                    pidx[k][pl.ds(g * L, L)] = (
                        lax.shift_left(
                            lax.shift_right_logical(v16, _LOG2VB),
                            _LOG2VB - 1)
                        + lax.bitwise_and(v16, _VB // 2 - 1))
                    return 0

                lax.fori_loop(0, _CH // L, shift_body, 0)
                return pltpu.async_copy(tr2_hbm.at[pidx[k]], gbuf[k], sems[k])

            cp = fire(0)
            for ch in range(nch):
                if ch + 1 < nch:
                    cp_next = fire(ch + 1)
                cp.wait()
                pltpu.sync_copy(gbuf[ch % 2],
                                out_hbm.at[pl.ds(base + ch * _CH, _CH)])
                if ch + 1 < nch:
                    cp = cp_next

        one_side(idx1_hbm, out1_hbm)
        one_side(idx2_hbm, out2_hbm)

    return gather_k(tr2, idx1, idx2)


def _mlp_body(g1_ref, g2_ref, m1_ref, m2_ref, wp1_ref, wp2_ref, bp_ref,
              w1_ref, b1_ref, gam_ref, bet_ref, w2_ref, b2_ref, gm_ref,
              fire_ref, feats_ref):
    D = g1_ref.shape[1] // 2
    x1 = jnp.where(m1_ref[...] > 0.5, g1_ref[:, D:], g1_ref[:, :D])
    x2 = jnp.where(m2_ref[...] > 0.5, g2_ref[:, D:], g2_ref[:, :D])
    z = (jnp.dot(x1, wp1_ref[...], preferred_element_type=jnp.float32)
         + jnp.dot(x2, wp2_ref[...], preferred_element_type=jnp.float32)
         + bp_ref[...])
    feats = jax.nn.sigmoid(z)
    feats_ref[...] = feats
    nin = 1.5 * feats - 0.5 * gm_ref[...]
    h = jnp.dot(nin, w1_ref[...], preferred_element_type=jnp.float32) + b1_ref[...]
    mu = jnp.mean(h, axis=-1, keepdims=True)
    var = jnp.mean((h - mu) ** 2, axis=-1, keepdims=True)
    hn = (h - mu) / jnp.sqrt(var + 1e-5) * gam_ref[...] + bet_ref[...]
    hg = 0.5 * hn * (1.0 + lax.erf(hn * np.float32(1.0 / np.sqrt(2.0))))
    pot = jnp.dot(hg, w2_ref[...], preferred_element_type=jnp.float32) + b2_ref[...]
    fire_ref[...] = jax.nn.sigmoid(pot)


def _tc_mlp(g1, g2, m1, m2, Wp, bp, W1, b1, gamma, beta, W2, b2, global_mean):
    B = g1.shape[0]
    D = g1.shape[1] // 2
    BLK = 2048
    wp1t = Wp[:, :D].T
    wp2t = Wp[:, D:].T
    w1t = W1.T
    w2t = W2.T
    row = lambda v: v.reshape(1, -1)
    full = lambda a: pl.BlockSpec(a.shape, lambda i: (0,) * a.ndim)
    return pl.pallas_call(
        _mlp_body,
        grid=(B // BLK,),
        in_specs=[
            pl.BlockSpec((BLK, 2 * D), lambda i: (i, 0)),
            pl.BlockSpec((BLK, 2 * D), lambda i: (i, 0)),
            pl.BlockSpec((BLK, 1), lambda i: (i, 0)),
            pl.BlockSpec((BLK, 1), lambda i: (i, 0)),
            full(wp1t), full(wp2t), full(row(bp)),
            full(w1t), full(row(b1)), full(row(gamma)), full(row(beta)),
            full(w2t), full(row(b2)), full(row(global_mean)),
        ],
        out_specs=[
            pl.BlockSpec((BLK, 1), lambda i: (i, 0)),
            pl.BlockSpec((BLK, 4), lambda i: (i, 0)),
        ],
        out_shape=[
            jax.ShapeDtypeStruct((B, 1), jnp.float32),
            jax.ShapeDtypeStruct((B, 4), jnp.float32),
        ],
    )(g1, g2, m1, m2, wp1t, wp2t, row(bp), w1t, row(b1), row(gamma),
      row(beta), w2t, row(b2), row(global_mean))


def kernel(idx1, idx2, table, Wp, bp, W1, b1, gamma, beta, W2, b2, global_mean):
    D = table.shape[1]
    i1 = idx1.astype(jnp.int32)
    i2 = idx2.astype(jnp.int32)
    tr2 = _tc_transpose(table.T)
    g1, g2 = _sc_gather(tr2, i1, i2, D)
    half = lambda ix: jnp.reshape(
        lax.bitwise_and(lax.shift_right_logical(ix, _LOG2VB - 1),
                        1).astype(jnp.float32), (-1, 1))
    firing, feats = _tc_mlp(g1, g2, half(i1), half(i2), Wp, bp, W1, b1,
                            gamma, beta, W2, b2, global_mean)
    return firing, feats

# --- scband reference (transcript-rebuilt; emitter-appended) ---
"""Pipeline reference for scband-neuronal-activator-46514495815961 (READ-ONLY COPY).

The authoritative reference and input builder live on the scoring server;
editing this copy changes nothing except your own understanding.
"""

import jax, jax.numpy as jnp
import numpy as np

B = 16384
V = 1000000
D = 64
H = 32

def setup_inputs(seed: int = 0) -> dict:
    key = jax.random.key(seed)
    ks = jax.random.split(key, 8)
    idx1 = jax.random.randint(ks[0], (B,), 0, V)
    idx2 = jax.random.randint(ks[1], (B,), 0, V)
    table = jax.random.normal(ks[2], (V, D), dtype=jnp.float32) * 0.02
    Wp = jax.random.normal(ks[3], (4, 2 * D), dtype=jnp.float32) * (1.0 / np.sqrt(2 * D))
    bp = jnp.zeros((4,), jnp.float32)
    W1 = jax.random.normal(ks[4], (H, 4), dtype=jnp.float32) * 0.5
    b1 = jnp.zeros((H,), jnp.float32)
    gamma = jnp.ones((H,), jnp.float32)
    beta = jnp.zeros((H,), jnp.float32)
    W2 = jax.random.normal(ks[5], (1, H), dtype=jnp.float32) * (1.0 / np.sqrt(H))
    b2 = jnp.zeros((1,), jnp.float32)
    global_mean = jnp.zeros((4,), jnp.float32)
    return {"idx1": idx1, "idx2": idx2, "table": table, "Wp": Wp, "bp": bp,
            "W1": W1, "b1": b1, "gamma": gamma, "beta": beta,
            "W2": W2, "b2": b2, "global_mean": global_mean}

def reference(idx1, idx2, table, Wp, bp, W1, b1, gamma, beta, W2, b2, global_mean):
    # get_features: embedding lookups -> concat -> linear -> sigmoid
    emb1 = jnp.take(table, idx1, axis=0)
    emb2 = jnp.take(table, idx2, axis=0)
    concat = jnp.concatenate([emb1, emb2], axis=-1)
    feats = jax.nn.sigmoid(concat @ Wp.T + bp)
    # forward: deviation from global mean, then neuron MLP
    deviation = feats - global_mean
    neuron_in = feats + deviation * 0.5
    h = neuron_in @ W1.T + b1
    mu = jnp.mean(h, axis=-1, keepdims=True)
    var = jnp.var(h, axis=-1, keepdims=True)
    h = (h - mu) / jnp.sqrt(var + 1e-5) * gamma + beta
    h = jax.nn.gelu(h, approximate=False)
    potential = h @ W2.T + b2
    firing_rate = jax.nn.sigmoid(potential)
    return firing_rate, feats

if __name__ == "__main__":
    import jax
    _d = setup_inputs()
    print(jax.jit(kernel)(*tuple(_d.values())))

</pallas_src>

<mosaic_0001>
#map = affine_map<(d0, d1) -> (0, 0)>
#map1 = affine_map<(d0, d1) -> (0)>
module attributes {stable_mosaic.version = 14 : i64} {
  func.func @gather_k(%arg0: i32, %arg1: i32, %arg2: memref<507904x128xf32, #tpu.memory_space<hbm>>, %arg3: memref<16384xi32, #tpu.memory_space<hbm>>, %arg4: memref<16384xi32, #tpu.memory_space<hbm>>, %arg5: memref<16384x128xf32, #tpu.memory_space<hbm>>, %arg6: memref<16384x128xf32, #tpu.memory_space<hbm>>, %arg7: memref<512xi32, #tpu.memory_space<vmem>>, %arg8: memref<256xi32, #tpu.memory_space<vmem>>, %arg9: memref<256xi32, #tpu.memory_space<vmem>>, %arg10: memref<256x128xf32, #tpu.memory_space<vmem>>, %arg11: memref<256x128xf32, #tpu.memory_space<vmem>>, %arg12: memref<!tpu.dma_semaphore, #tpu.memory_space<semaphore_mem>>, %arg13: memref<!tpu.dma_semaphore, #tpu.memory_space<semaphore_mem>>) attributes {dimension_semantics = [#tpu.dimension_semantics<core_parallel>, #tpu.dimension_semantics<subcore_parallel>], iteration_bounds = array<i64: 2, 16>, scalar_prefetch = 0 : i64, scratch_operands = 7 : i64, tpu.core_type = #tpu.core_type<sc_vector_subcore>, window_params = [{transform_indices = #map}, {transform_indices = #map1}, {transform_indices = #map1}, {transform_indices = #map}, {transform_indices = #map}]} {
    %mul3A = arith.constant 2 : i32
    %mul3A_0 = arith.muli %arg1, %mul3A : i32
    %add3A = arith.addi %mul3A_0, %arg0 : i32
    %mul3A_1 = arith.constant 512 : i32
    %mul3A_2 = arith.muli %add3A, %mul3A_1 : i32
    "tpu.region"() ({
      %run_scoped3A = tpu.sem_alloc : memref<!tpu.dma_semaphore, #tpu.memory_space<semaphore_mem>>
      %dma_start3A_60 = tpu.memref_slice %arg3[%mul3A_2] : memref<16384xi32, #tpu.memory_space<hbm>> -> memref<512xi32, #tpu.memory_space<hbm>>
      %dma_start3A_61 = tpu.memref_slice %arg3[%mul3A_2] : memref<16384xi32, #tpu.memory_space<hbm>> -> memref<512xi32, #tpu.memory_space<hbm>>
      tpu.enqueue_dma source(%dma_start3A_61 : memref<512xi32, #tpu.memory_space<hbm>>) target(%arg7 : memref<512xi32, #tpu.memory_space<vmem>>) target_semaphore(%run_scoped3A : memref<!tpu.dma_semaphore, #tpu.memory_space<semaphore_mem>>)
      %dma_wait3A_62 = tpu.memref_slice %arg3[%mul3A_2] : memref<16384xi32, #tpu.memory_space<hbm>> -> memref<512xi32, #tpu.memory_space<hbm>>
      %dma_wait3A_63 = tpu.memref_slice %arg3[%mul3A_2] : memref<16384xi32, #tpu.memory_space<hbm>> -> memref<512xi32, #tpu.memory_space<hbm>>
      tpu.wait_dma2 semaphore(%run_scoped3A : memref<!tpu.dma_semaphore, #tpu.memory_space<semaphore_mem>>) src(%dma_wait3A_63 : memref<512xi32, #tpu.memory_space<hbm>>) dst(%arg7 : memref<512xi32, #tpu.memory_space<vmem>>)
      tpu.yield
    }) : () -> ()
    %scan3A = arith.constant 0 : i32
    %scan3A_3 = arith.constant 0 : i32
    %scan3A_4 = arith.constant 16 : i32
    %scan3A_5 = arith.addi %scan3A_3, %scan3A_4 : i32
    %scan3A_6 = arith.constant 1 : i32
    %scan3A_7 = scf.for %scan3A_60 = %scan3A_3 to %scan3A_5 step %scan3A_6 iter_args(%scan3A_61 = %scan3A) -> (i32)  : i32 {
      %mul3A_62 = arith.constant 16 : i32
      %mul3A_63 = arith.muli %scan3A_60, %mul3A_62 : i32
      %add3A_64 = arith.constant 0 : i32
      %add3A_65 = arith.addi %add3A_64, %mul3A_63 : i32
      %get3A = arith.index_cast %add3A_65 : i32 to index
      %get3A_66 = tpu.vector_load %arg7[%get3A] {strides = array<i32>} : memref<512xi32, #tpu.memory_space<vmem>>, vector<16xi32>,
      %shift_right_logical3A = arith.constant 14 : i32
      %shift_right_logical3A_67 = vector.broadcast %shift_right_logical3A : i32 to vector<16xi32>
      %shift_right_logical3A_68 = arith.shrui %get3A_66, %shift_right_logical3A_67 : vector<16xi32>
      %shift_left3A = arith.constant 13 : i32
      %shift_left3A_69 = vector.broadcast %shift_left3A : i32 to vector<16xi32>
      %shift_left3A_70 = arith.shli %shift_right_logical3A_68, %shift_left3A_69 : vector<16xi32>
      %and3A = arith.constant 8191 : i32
      %and3A_71 = vector.broadcast %and3A : i32 to vector<16xi32>
      %and3A_72 = arith.andi %get3A_66, %and3A_71 : vector<16xi32>
      %add3A_73 = arith.addi %shift_left3A_70, %and3A_72 : vector<16xi32>
      %mul3A_74 = arith.constant 16 : i32
      %mul3A_75 = arith.muli %scan3A_60, %mul3A_74 : i32
      %swap3A = arith.index_cast %mul3A_75 : i32 to index
      %swap3A_76 = tpu.vector_load %arg8[%swap3A] {strides = array<i32>} : memref<256xi32, #tpu.memory_space<vmem>>, vector<16xi32>,
      tpu.vector_store %arg8[%swap3A], %add3A_73 {strides = array<i32>} : memref<256xi32, #tpu.memory_space<vmem>>, vector<16xi32>,
      %scan3A_77 = arith.constant 0 : i32
      scf.yield %scan3A_77 : i32
    }
    %scan3A_8 = arith.constant 16 : i32
    %dma_start3A = arith.constant 0 : i32
    %dma_start3A_9 = arith.constant 0 : i32
    %dma_start3A_10 = tpu.memref_slice %arg2[%dma_start3A, %dma_start3A_9] : memref<507904x128xf32, #tpu.memory_space<hbm>> -> memref<507904x128xf32, #tpu.memory_space<hbm>>
    tpu.enqueue_indirect_dma source(%dma_start3A_10 : memref<507904x128xf32, #tpu.memory_space<hbm>>) target(%arg10 : memref<256x128xf32, #tpu.memory_space<vmem>>) offsets(%arg8 : memref<256xi32, #tpu.memory_space<vmem>>) semaphore(%arg12 : memref<!tpu.dma_semaphore, #tpu.memory_space<semaphore_mem>>)
    %scan3A_11 = arith.constant 0 : i32
    %scan3A_12 = arith.constant 0 : i32
    %scan3A_13 = arith.constant 16 : i32
    %scan3A_14 = arith.addi %scan3A_12, %scan3A_13 : i32
    %scan3A_15 = arith.constant 1 : i32
    %scan3A_16 = scf.for %scan3A_60 = %scan3A_12 to %scan3A_14 step %scan3A_15 iter_args(%scan3A_61 = %scan3A_11) -> (i32)  : i32 {
      %mul3A_62 = arith.constant 16 : i32
      %mul3A_63 = arith.muli %scan3A_60, %mul3A_62 : i32
      %add3A_64 = arith.constant 256 : i32
      %add3A_65 = arith.addi %add3A_64, %mul3A_63 : i32
      %get3A = arith.index_cast %add3A_65 : i32 to index
      %get3A_66 = tpu.vector_load %arg7[%get3A] {strides = array<i32>} : memref<512xi32, #tpu.memory_space<vmem>>, vector<16xi32>,
      %shift_right_logical3A = arith.constant 14 : i32
      %shift_right_logical3A_67 = vector.broadcast %shift_right_logical3A : i32 to vector<16xi32>
      %shift_right_logical3A_68 = arith.shrui %get3A_66, %shift_right_logical3A_67 : vector<16xi32>
      %shift_left3A = arith.constant 13 : i32
      %shift_left3A_69 = vector.broadcast %shift_left3A : i32 to vector<16xi32>
      %shift_left3A_70 = arith.shli %shift_right_logical3A_68, %shift_left3A_69 : vector<16xi32>
      %and3A = arith.constant 8191 : i32
      %and3A_71 = vector.broadcast %and3A : i32 to vector<16xi32>
      %and3A_72 = arith.andi %get3A_66, %and3A_71 : vector<16xi32>
      %add3A_73 = arith.addi %shift_left3A_70, %and3A_72 : vector<16xi32>
      %mul3A_74 = arith.constant 16 : i32
      %mul3A_75 = arith.muli %scan3A_60, %mul3A_74 : i32
      %swap3A = arith.index_cast %mul3A_75 : i32 to index
      %swap3A_76 = tpu.vector_load %arg9[%swap3A] {strides = array<i32>} : memref<256xi32, #tpu.memory_space<vmem>>, vector<16xi32>,
      tpu.vector_store %arg9[%swap3A], %add3A_73 {strides = array<i32>} : memref<256xi32, #tpu.memory_space<vmem>>, vector<16xi32>,
      %scan3A_77 = arith.constant 0 : i32
      scf.yield %scan3A_77 : i32
    }
    %scan3A_17 = arith.constant 16 : i32
    %dma_start3A_18 = arith.constant 0 : i32
    %dma_start3A_19 = arith.constant 0 : i32
    %dma_start3A_20 = tpu.memref_slice %arg2[%dma_start3A_18, %dma_start3A_19] : memref<507904x128xf32, #tpu.memory_space<hbm>> -> memref<507904x128xf32, #tpu.memory_space<hbm>>
    tpu.enqueue_indirect_dma source(%dma_start3A_20 : memref<507904x128xf32, #tpu.memory_space<hbm>>) target(%arg11 : memref<256x128xf32, #tpu.memory_space<vmem>>) offsets(%arg9 : memref<256xi32, #tpu.memory_space<vmem>>) semaphore(%arg13 : memref<!tpu.dma_semaphore, #tpu.memory_space<semaphore_mem>>)
    %dma_wait3A = arith.constant 0 : i32
    %dma_wait3A_21 = arith.constant 0 : i32
    %dma_wait3A_22 = tpu.memref_slice %arg2[%dma_wait3A, %dma_wait3A_21] : memref<507904x128xf32, #tpu.memory_space<hbm>> -> memref<507904x128xf32, #tpu.memory_space<hbm>>
    tpu.wait_indirect_dma semaphore(%arg12 : memref<!tpu.dma_semaphore, #tpu.memory_space<semaphore_mem>>) src(%dma_wait3A_22 : memref<507904x128xf32, #tpu.memory_space<hbm>>) dst(%arg10 : memref<256x128xf32, #tpu.memory_space<vmem>>)
    %add3A_23 = arith.constant 0 : i32
    %add3A_24 = arith.addi %mul3A_2, %add3A_23 : i32
    "tpu.region"() ({
      %run_scoped3A = tpu.sem_alloc : memref<!tpu.dma_semaphore, #tpu.memory_space<semaphore_mem>>
      %dma_start3A_60 = arith.constant 0 : i32
      %dma_start3A_61 = tpu.memref_slice %arg5[%add3A_24, %dma_start3A_60] : memref<16384x128xf32, #tpu.memory_space<hbm>> -> memref<256x128xf32, #tpu.memory_space<hbm>>
      %dma_start3A_62 = arith.constant 0 : i32
      %dma_start3A_63 = tpu.memref_slice %arg5[%add3A_24, %dma_start3A_62] : memref<16384x128xf32, #tpu.memory_space<hbm>> -> memref<256x128xf32, #tpu.memory_space<hbm>>
      tpu.enqueue_dma source(%arg10 : memref<256x128xf32, #tpu.memory_space<vmem>>) target(%dma_start3A_63 : memref<256x128xf32, #tpu.memory_space<hbm>>) target_semaphore(%run_scoped3A : memref<!tpu.dma_semaphore, #tpu.memory_space<semaphore_mem>>)
      %dma_wait3A_64 = arith.constant 0 : i32
      %dma_wait3A_65 = tpu.memref_slice %arg5[%add3A_24, %dma_wait3A_64] : memref<16384x128xf32, #tpu.memory_space<hbm>> -> memref<256x128xf32, #tpu.memory_space<hbm>>
      %dma_wait3A_66 = arith.constant 0 : i32
      %dma_wait3A_67 = tpu.memref_slice %arg5[%add3A_24, %dma_wait3A_66] : memref<16384x128xf32, #tpu.memory_space<hbm>> -> memref<256x128xf32, #tpu.memory_space<hbm>>
      tpu.wait_dma2 semaphore(%run_scoped3A : memref<!tpu.dma_semaphore, #tpu.memory_space<semaphore_mem>>) src(%arg10 : memref<256x128xf32, #tpu.memory_space<vmem>>) dst(%dma_wait3A_67 : memref<256x128xf32, #tpu.memory_space<hbm>>)
      tpu.yield
    }) : () -> ()
    %dma_wait3A_25 = arith.constant 0 : i32
    %dma_wait3A_26 = arith.constant 0 : i32
    %dma_wait3A_27 = tpu.memref_slice %arg2[%dma_wait3A_25, %dma_wait3A_26] : memref<507904x128xf32, #tpu.memory_space<hbm>> -> memref<507904x128xf32, #tpu.memory_space<hbm>>
    tpu.wait_indirect_dma semaphore(%arg13 : memref<!tpu.dma_semaphore, #tpu.memory_space<semaphore_mem>>) src(%dma_wait3A_27 : memref<507904x128xf32, #tpu.memory_space<hbm>>) dst(%arg11 : memref<256x128xf32, #tpu.memory_space<vmem>>)
    %add3A_28 = arith.constant 256 : i32
    %add3A_29 = arith.addi %mul3A_2, %add3A_28 : i32
    "tpu.region"() ({
      %run_scoped3A = tpu.sem_alloc : memref<!tpu.dma_semaphore, #tpu.memory_space<semaphore_mem>>
      %dma_start3A_60 = arith.constant 0 : i32
      %dma_start3A_61 = tpu.memref_slice %arg5[%add3A_29, %dma_start3A_60] : memref<16384x128xf32, #tpu.memory_space<hbm>> -> memref<256x128xf32, #tpu.memory_space<hbm>>
      %dma_start3A_62 = arith.constant 0 : i32
      %dma_start3A_63 = tpu.memref_slice %arg5[%add3A_29, %dma_start3A_62] : memref<16384x128xf32, #tpu.memory_space<hbm>> -> memref<256x128xf32, #tpu.memory_space<hbm>>
      tpu.enqueue_dma source(%arg11 : memref<256x128xf32, #tpu.memory_space<vmem>>) target(%dma_start3A_63 : memref<256x128xf32, #tpu.memory_space<hbm>>) target_semaphore(%run_scoped3A : memref<!tpu.dma_semaphore, #tpu.memory_space<semaphore_mem>>)
      %dma_wait3A_64 = arith.constant 0 : i32
      %dma_wait3A_65 = tpu.memref_slice %arg5[%add3A_29, %dma_wait3A_64] : memref<16384x128xf32, #tpu.memory_space<hbm>> -> memref<256x128xf32, #tpu.memory_space<hbm>>
      %dma_wait3A_66 = arith.constant 0 : i32
      %dma_wait3A_67 = tpu.memref_slice %arg5[%add3A_29, %dma_wait3A_66] : memref<16384x128xf32, #tpu.memory_space<hbm>> -> memref<256x128xf32, #tpu.memory_space<hbm>>
      tpu.wait_dma2 semaphore(%run_scoped3A : memref<!tpu.dma_semaphore, #tpu.memory_space<semaphore_mem>>) src(%arg11 : memref<256x128xf32, #tpu.memory_space<vmem>>) dst(%dma_wait3A_67 : memref<256x128xf32, #tpu.memory_space<hbm>>)
      tpu.yield
    }) : () -> ()
    "tpu.region"() ({
      %run_scoped3A = tpu.sem_alloc : memref<!tpu.dma_semaphore, #tpu.memory_space<semaphore_mem>>
      %dma_start3A_60 = tpu.memref_slice %arg4[%mul3A_2] : memref<16384xi32, #tpu.memory_space<hbm>> -> memref<512xi32, #tpu.memory_space<hbm>>
      %dma_start3A_61 = tpu.memref_slice %arg4[%mul3A_2] : memref<16384xi32, #tpu.memory_space<hbm>> -> memref<512xi32, #tpu.memory_space<hbm>>
      tpu.enqueue_dma source(%dma_start3A_61 : memref<512xi32, #tpu.memory_space<hbm>>) target(%arg7 : memref<512xi32, #tpu.memory_space<vmem>>) target_semaphore(%run_scoped3A : memref<!tpu.dma_semaphore, #tpu.memory_space<semaphore_mem>>)
      %dma_wait3A_62 = tpu.memref_slice %arg4[%mul3A_2] : memref<16384xi32, #tpu.memory_space<hbm>> -> memref<512xi32, #tpu.memory_space<hbm>>
      %dma_wait3A_63 = tpu.memref_slice %arg4[%mul3A_2] : memref<16384xi32, #tpu.memory_space<hbm>> -> memref<512xi32, #tpu.memory_space<hbm>>
      tpu.wait_dma2 semaphore(%run_scoped3A : memref<!tpu.dma_semaphore, #tpu.memory_space<semaphore_mem>>) src(%dma_wait3A_63 : memref<512xi32, #tpu.memory_space<hbm>>) dst(%arg7 : memref<512xi32, #tpu.memory_space<vmem>>)
      tpu.yield
    }) : () -> ()
    %scan3A_30 = arith.constant 0 : i32
    %scan3A_31 = arith.constant 0 : i32
    %scan3A_32 = arith.constant 16 : i32
    %scan3A_33 = arith.addi %scan3A_31, %scan3A_32 : i32
    %scan3A_34 = arith.constant 1 : i32
    %scan3A_35 = scf.for %scan3A_60 = %scan3A_31 to %scan3A_33 step %scan3A_34 iter_args(%scan3A_61 = %scan3A_30) -> (i32)  : i32 {
      %mul3A_62 = arith.constant 16 : i32
      %mul3A_63 = arith.muli %scan3A_60, %mul3A_62 : i32
      %add3A_64 = arith.constant 0 : i32
      %add3A_65 = arith.addi %add3A_64, %mul3A_63 : i32
      %get3A = arith.index_cast %add3A_65 : i32 to index
      %get3A_66 = tpu.vector_load %arg7[%get3A] {strides = array<i32>} : memref<512xi32, #tpu.memory_space<vmem>>, vector<16xi32>,
      %shift_right_logical3A = arith.constant 14 : i32
      %shift_right_logical3A_67 = vector.broadcast %shift_right_logical3A : i32 to vector<16xi32>
      %shift_right_logical3A_68 = arith.shrui %get3A_66, %shift_right_logical3A_67 : vector<16xi32>
      %shift_left3A = arith.constant 13 : i32
      %shift_left3A_69 = vector.broadcast %shift_left3A : i32 to vector<16xi32>
      %shift_left3A_70 = arith.shli %shift_right_logical3A_68, %shift_left3A_69 : vector<16xi32>
      %and3A = arith.constant 8191 : i32
      %and3A_71 = vector.broadcast %and3A : i32 to vector<16xi32>
      %and3A_72 = arith.andi %get3A_66, %and3A_71 : vector<16xi32>
      %add3A_73 = arith.addi %shift_left3A_70, %and3A_72 : vector<16xi32>
      %mul3A_74 = arith.constant 16 : i32
      %mul3A_75 = arith.muli %scan3A_60, %mul3A_74 : i32
      %swap3A = arith.index_cast %mul3A_75 : i32 to index
      %swap3A_76 = tpu.vector_load %arg8[%swap3A] {strides = array<i32>} : memref<256xi32, #tpu.memory_space<vmem>>, vector<16xi32>,
      tpu.vector_store %arg8[%swap3A], %add3A_73 {strides = array<i32>} : memref<256xi32, #tpu.memory_space<vmem>>, vector<16xi32>,
      %scan3A_77 = arith.constant 0 : i32
      scf.yield %scan3A_77 : i32
    }
    %scan3A_36 = arith.constant 16 : i32
    %dma_start3A_37 = arith.constant 0 : i32
    %dma_start3A_38 = arith.constant 0 : i32
    %dma_start3A_39 = tpu.memref_slice %arg2[%dma_start3A_37, %dma_start3A_38] : memref<507904x128xf32, #tpu.memory_space<hbm>> -> memref<507904x128xf32, #tpu.memory_space<hbm>>
    tpu.enqueue_indirect_dma source(%dma_start3A_39 : memref<507904x128xf32, #tpu.memory_space<hbm>>) target(%arg10 : memref<256x128xf32, #tpu.memory_space<vmem>>) offsets(%arg8 : memref<256xi32, #tpu.memory_space<vmem>>) semaphore(%arg12 : memref<!tpu.dma_semaphore, #tpu.memory_space<semaphore_mem>>)
    %scan3A_40 = arith.constant 0 : i32
    %scan3A_41 = arith.constant 0 : i32
    %scan3A_42 = arith.constant 16 : i32
    %scan3A_43 = arith.addi %scan3A_41, %scan3A_42 : i32
    %scan3A_44 = arith.constant 1 : i32
    %scan3A_45 = scf.for %scan3A_60 = %scan3A_41 to %scan3A_43 step %scan3A_44 iter_args(%scan3A_61 = %scan3A_40) -> (i32)  : i32 {
      %mul3A_62 = arith.constant 16 : i32
      %mul3A_63 = arith.muli %scan3A_60, %mul3A_62 : i32
      %add3A_64 = arith.constant 256 : i32
      %add3A_65 = arith.addi %add3A_64, %mul3A_63 : i32
      %get3A = arith.index_cast %add3A_65 : i32 to index
      %get3A_66 = tpu.vector_load %arg7[%get3A] {strides = array<i32>} : memref<512xi32, #tpu.memory_space<vmem>>, vector<16xi32>,
      %shift_right_logical3A = arith.constant 14 : i32
      %shift_right_logical3A_67 = vector.broadcast %shift_right_logical3A : i32 to vector<16xi32>
      %shift_right_logical3A_68 = arith.shrui %get3A_66, %shift_right_logical3A_67 : vector<16xi32>
      %shift_left3A = arith.constant 13 : i32
      %shift_left3A_69 = vector.broadcast %shift_left3A : i32 to vector<16xi32>
      %shift_left3A_70 = arith.shli %shift_right_logical3A_68, %shift_left3A_69 : vector<16xi32>
      %and3A = arith.constant 8191 : i32
      %and3A_71 = vector.broadcast %and3A : i32 to vector<16xi32>
      %and3A_72 = arith.andi %get3A_66, %and3A_71 : vector<16xi32>
      %add3A_73 = arith.addi %shift_left3A_70, %and3A_72 : vector<16xi32>
      %mul3A_74 = arith.constant 16 : i32
      %mul3A_75 = arith.muli %scan3A_60, %mul3A_74 : i32
      %swap3A = arith.index_cast %mul3A_75 : i32 to index
      %swap3A_76 = tpu.vector_load %arg9[%swap3A] {strides = array<i32>} : memref<256xi32, #tpu.memory_space<vmem>>, vector<16xi32>,
      tpu.vector_store %arg9[%swap3A], %add3A_73 {strides = array<i32>} : memref<256xi32, #tpu.memory_space<vmem>>, vector<16xi32>,
      %scan3A_77 = arith.constant 0 : i32
      scf.yield %scan3A_77 : i32
    }
    %scan3A_46 = arith.constant 16 : i32
    %dma_start3A_47 = arith.constant 0 : i32
    %dma_start3A_48 = arith.constant 0 : i32
    %dma_start3A_49 = tpu.memref_slice %arg2[%dma_start3A_47, %dma_start3A_48] : memref<507904x128xf32, #tpu.memory_space<hbm>> -> memref<507904x128xf32, #tpu.memory_space<hbm>>
    tpu.enqueue_indirect_dma source(%dma_start3A_49 : memref<507904x128xf32, #tpu.memory_space<hbm>>) target(%arg11 : memref<256x128xf32, #tpu.memory_space<vmem>>) offsets(%arg9 : memref<256xi32, #tpu.memory_space<vmem>>) semaphore(%arg13 : memref<!tpu.dma_semaphore, #tpu.memory_space<semaphore_mem>>)
    %dma_wait3A_50 = arith.constant 0 : i32
    %dma_wait3A_51 = arith.constant 0 : i32
    %dma_wait3A_52 = tpu.memref_slice %arg2[%dma_wait3A_50, %dma_wait3A_51] : memref<507904x128xf32, #tpu.memory_space<hbm>> -> memref<507904x128xf32, #tpu.memory_space<hbm>>
    tpu.wait_indirect_dma semaphore(%arg12 : memref<!tpu.dma_semaphore, #tpu.memory_space<semaphore_mem>>) src(%dma_wait3A_52 : memref<507904x128xf32, #tpu.memory_space<hbm>>) dst(%arg10 : memref<256x128xf32, #tpu.memory_space<vmem>>)
    %add3A_53 = arith.constant 0 : i32
    %add3A_54 = arith.addi %mul3A_2, %add3A_53 : i32
    "tpu.region"() ({
      %run_scoped3A = tpu.sem_alloc : memref<!tpu.dma_semaphore, #tpu.memory_space<semaphore_mem>>
      %dma_start3A_60 = arith.constant 0 : i32
      %dma_start3A_61 = tpu.memref_slice %arg6[%add3A_54, %dma_start3A_60] : memref<16384x128xf32, #tpu.memory_space<hbm>> -> memref<256x128xf32, #tpu.memory_space<hbm>>
      %dma_start3A_62 = arith.constant 0 : i32
      %dma_start3A_63 = tpu.memref_slice %arg6[%add3A_54, %dma_start3A_62] : memref<16384x128xf32, #tpu.memory_space<hbm>> -> memref<256x128xf32, #tpu.memory_space<hbm>>
      tpu.enqueue_dma source(%arg10 : memref<256x128xf32, #tpu.memory_space<vmem>>) target(%dma_start3A_63 : memref<256x128xf32, #tpu.memory_space<hbm>>) target_semaphore(%run_scoped3A : memref<!tpu.dma_semaphore, #tpu.memory_space<semaphore_mem>>)
      %dma_wait3A_64 = arith.constant 0 : i32
      %dma_wait3A_65 = tpu.memref_slice %arg6[%add3A_54, %dma_wait3A_64] : memref<16384x128xf32, #tpu.memory_space<hbm>> -> memref<256x128xf32, #tpu.memory_space<hbm>>
      %dma_wait3A_66 = arith.constant 0 : i32
      %dma_wait3A_67 = tpu.memref_slice %arg6[%add3A_54, %dma_wait3A_66] : memref<16384x128xf32, #tpu.memory_space<hbm>> -> memref<256x128xf32, #tpu.memory_space<hbm>>
      tpu.wait_dma2 semaphore(%run_scoped3A : memref<!tpu.dma_semaphore, #tpu.memory_space<semaphore_mem>>) src(%arg10 : memref<256x128xf32, #tpu.memory_space<vmem>>) dst(%dma_wait3A_67 : memref<256x128xf32, #tpu.memory_space<hbm>>)
      tpu.yield
    }) : () -> ()
    %dma_wait3A_55 = arith.constant 0 : i32
    %dma_wait3A_56 = arith.constant 0 : i32
    %dma_wait3A_57 = tpu.memref_slice %arg2[%dma_wait3A_55, %dma_wait3A_56] : memref<507904x128xf32, #tpu.memory_space<hbm>> -> memref<507904x128xf32, #tpu.memory_space<hbm>>
    tpu.wait_indirect_dma semaphore(%arg13 : memref<!tpu.dma_semaphore, #tpu.memory_space<semaphore_mem>>) src(%dma_wait3A_57 : memref<507904x128xf32, #tpu.memory_space<hbm>>) dst(%arg11 : memref<256x128xf32, #tpu.memory_space<vmem>>)
    %add3A_58 = arith.constant 256 : i32
    %add3A_59 = arith.addi %mul3A_2, %add3A_58 : i32
    "tpu.region"() ({
      %run_scoped3A = tpu.sem_alloc : memref<!tpu.dma_semaphore, #tpu.memory_space<semaphore_mem>>
      %dma_start3A_60 = arith.constant 0 : i32
      %dma_start3A_61 = tpu.memref_slice %arg6[%add3A_59, %dma_start3A_60] : memref<16384x128xf32, #tpu.memory_space<hbm>> -> memref<256x128xf32, #tpu.memory_space<hbm>>
      %dma_start3A_62 = arith.constant 0 : i32
      %dma_start3A_63 = tpu.memref_slice %arg6[%add3A_59, %dma_start3A_62] : memref<16384x128xf32, #tpu.memory_space<hbm>> -> memref<256x128xf32, #tpu.memory_space<hbm>>
      tpu.enqueue_dma source(%arg11 : memref<256x128xf32, #tpu.memory_space<vmem>>) target(%dma_start3A_63 : memref<256x128xf32, #tpu.memory_space<hbm>>) target_semaphore(%run_scoped3A : memref<!tpu.dma_semaphore, #tpu.memory_space<semaphore_mem>>)
      %dma_wait3A_64 = arith.constant 0 : i32
      %dma_wait3A_65 = tpu.memref_slice %arg6[%add3A_59, %dma_wait3A_64] : memref<16384x128xf32, #tpu.memory_space<hbm>> -> memref<256x128xf32, #tpu.memory_space<hbm>>
      %dma_wait3A_66 = arith.constant 0 : i32
      %dma_wait3A_67 = tpu.memref_slice %arg6[%add3A_59, %dma_wait3A_66] : memref<16384x128xf32, #tpu.memory_space<hbm>> -> memref<256x128xf32, #tpu.memory_space<hbm>>
      tpu.wait_dma2 semaphore(%run_scoped3A : memref<!tpu.dma_semaphore, #tpu.memory_space<semaphore_mem>>) src(%arg11 : memref<256x128xf32, #tpu.memory_space<vmem>>) dst(%dma_wait3A_67 : memref<256x128xf32, #tpu.memory_space<hbm>>)
      tpu.yield
    }) : () -> ()
    return
  }
}

module attributes {stable_mosaic.version = 14 : i64} {
  func.func @_transpose_body(%arg0: i32, %arg1: memref<64x16384xf32, #tpu.memory_space<vmem>>, %arg2: memref<8192x128xf32, #tpu.memory_space<vmem>>) attributes {dimension_semantics = [#tpu.dimension_semantics<arbitrary>], iteration_bounds = array<i64: 62>, scalar_prefetch = 0 : i64, scratch_operands = 0 : i64, tpu.core_type = #tpu.core_type<tc>, window_params = [{transform_indices = @transform_0, window_bounds = array<i64: 64, 16384>}, {transform_indices = @transform_1, window_bounds = array<i64: 8192, 128>}]} {
    %get3A = arith.constant 0 : index
    %get3A_0 = arith.constant 0 : index
    %get3A_1 = vector.load %arg1[%get3A, %get3A_0] : memref<64x16384xf32, #tpu.memory_space<vmem>>, vector<64x16384xf32>
    %transpose3A = tpu.transpose %get3A_1, [1, 0] : vector<64x16384xf32> -> vector<16384x64xf32>
    %slice3A = vector.extract_strided_slice %transpose3A {offsets = [0, 0], sizes = [8192, 64], strides = [1, 1]} : vector<16384x64xf32> to vector<8192x64xf32>
    %swap3A = arith.constant 0 : index
    %swap3A_2 = arith.constant 0 : index
    %swap3A_3 = vector.load %arg2[%swap3A, %swap3A_2] : memref<8192x128xf32, #tpu.memory_space<vmem>>, vector<8192x64xf32>
    tpu.vector_store %arg2[%swap3A, %swap3A_2], %slice3A {strides = array<i32>} : memref<8192x128xf32, #tpu.memory_space<vmem>>, vector<8192x64xf32>,
    %slice3A_4 = vector.extract_strided_slice %transpose3A {offsets = [8192, 0], sizes = [8192, 64], strides = [1, 1]} : vector<16384x64xf32> to vector<8192x64xf32>
    %swap3A_5 = arith.constant 0 : index
    %swap3A_6 = arith.constant 64 : index
    %swap3A_7 = vector.load %arg2[%swap3A_5, %swap3A_6] : memref<8192x128xf32, #tpu.memory_space<vmem>>, vector<8192x64xf32>
    tpu.vector_store %arg2[%swap3A_5, %swap3A_6], %slice3A_4 {strides = array<i32>} : memref<8192x128xf32, #tpu.memory_space<vmem>>, vector<8192x64xf32>,
    return
  }
  func.func @transform_0(%arg0: i32) -> (i32, i32) {
    %c0_i32 = arith.constant 0 : i32
    %c0_i32_0 = arith.constant 0 : i32
    return %c0_i32, %arg0 : i32, i32
  }
  func.func @transform_1(%arg0: i32) -> (i32, i32) {
    %c0_i32 = arith.constant 0 : i32
    %c0_i32_0 = arith.constant 0 : i32
    return %arg0, %c0_i32 : i32, i32
  }
}

module attributes {stable_mosaic.version = 14 : i64} {
  func.func @_mlp_body(%arg0: i32, %arg1: memref<2048x128xf32, #tpu.memory_space<vmem>>, %arg2: memref<2048x128xf32, #tpu.memory_space<vmem>>, %arg3: memref<2048x1xf32, #tpu.memory_space<vmem>>, %arg4: memref<2048x1xf32, #tpu.memory_space<vmem>>, %arg5: memref<64x4xf32, #tpu.memory_space<vmem>>, %arg6: memref<64x4xf32, #tpu.memory_space<vmem>>, %arg7: memref<1x4xf32, #tpu.memory_space<vmem>>, %arg8: memref<4x32xf32, #tpu.memory_space<vmem>>, %arg9: memref<1x32xf32, #tpu.memory_space<vmem>>, %arg10: memref<1x32xf32, #tpu.memory_space<vmem>>, %arg11: memref<1x32xf32, #tpu.memory_space<vmem>>, %arg12: memref<32x1xf32, #tpu.memory_space<vmem>>, %arg13: memref<1x1xf32, #tpu.memory_space<vmem>>, %arg14: memref<1x4xf32, #tpu.memory_space<vmem>>, %arg15: memref<2048x1xf32, #tpu.memory_space<vmem>>, %arg16: memref<2048x4xf32, #tpu.memory_space<vmem>>) attributes {dimension_semantics = [#tpu.dimension_semantics<arbitrary>], iteration_bounds = array<i64: 8>, scalar_prefetch = 0 : i64, scratch_operands = 0 : i64, tpu.core_type = #tpu.core_type<tc>, window_params = [{transform_indices = @transform_0, window_bounds = array<i64: 2048, 128>}, {transform_indices = @transform_1, window_bounds = array<i64: 2048, 128>}, {transform_indices = @transform_2, window_bounds = array<i64: 2048, 1>}, {transform_indices = @transform_3, window_bounds = array<i64: 2048, 1>}, {pipeline_mode = #tpu.pipeline_mode<synchronous>, transform_indices = @transform_4, window_bounds = array<i64: 64, 4>}, {pipeline_mode = #tpu.pipeline_mode<synchronous>, transform_indices = @transform_5, window_bounds = array<i64: 64, 4>}, {pipeline_mode = #tpu.pipeline_mode<synchronous>, transform_indices = @transform_6, window_bounds = array<i64: 1, 4>}, {pipeline_mode = #tpu.pipeline_mode<synchronous>, transform_indices = @transform_7, window_bounds = array<i64: 4, 32>}, {pipeline_mode = #tpu.pipeline_mode<synchronous>, transform_indices = @transform_8, window_bounds = array<i64: 1, 32>}, {pipeline_mode = #tpu.pipeline_mode<synchronous>, transform_indices = @transform_9, window_bounds = array<i64: 1, 32>}, {pipeline_mode = #tpu.pipeline_mode<synchronous>, transform_indices = @transform_10, window_bounds = array<i64: 1, 32>}, {pipeline_mode = #tpu.pipeline_mode<synchronous>, transform_indices = @transform_11, window_bounds = array<i64: 32, 1>}, {pipeline_mode = #tpu.pipeline_mode<synchronous>, transform_indices = @transform_12, window_bounds = array<i64: 1, 1>}, {pipeline_mode = #tpu.pipeline_mode<synchronous>, transform_indices = @transform_13, window_bounds = array<i64: 1, 4>}, {transform_indices = @transform_14, window_bounds = array<i64: 2048, 1>}, {transform_indices = @transform_15, window_bounds = array<i64: 2048, 4>}]} {
    %get3A = arith.constant 0 : index
    %get3A_0 = arith.constant 0 : index
    %get3A_1 = vector.load %arg3[%get3A, %get3A_0] : memref<2048x1xf32, #tpu.memory_space<vmem>>, vector<2048x1xf32>
    %gt3A = arith.constant 5.000000e-01 : f32
    %gt3A_2 = vector.broadcast %gt3A : f32 to vector<2048x1xf32>
    %gt3A_3 = arith.cmpf ogt, %get3A_1, %gt3A_2 : vector<2048x1xf32>
    %get3A_4 = arith.constant 0 : index
    %get3A_5 = arith.constant 64 : index
    %get3A_6 = vector.load %arg1[%get3A_4, %get3A_5] : memref<2048x128xf32, #tpu.memory_space<vmem>>, vector<2048x64xf32>
    %get3A_7 = arith.constant 0 : index
    %get3A_8 = arith.constant 0 : index
    %get3A_9 = vector.load %arg1[%get3A_7, %get3A_8] : memref<2048x128xf32, #tpu.memory_space<vmem>>, vector<2048x64xf32>
    %broadcast_in_dim3A = vector.shape_cast %gt3A_3 : vector<2048x1xi1> to vector<2048x1xi1>
    %broadcast_in_dim3A_10 = vector.broadcast %broadcast_in_dim3A : vector<2048x1xi1> to vector<2048x64xi1>
    %select_n3A = arith.select %broadcast_in_dim3A_10, %get3A_6, %get3A_9 : vector<2048x64xi1>, vector<2048x64xf32>
    %get3A_11 = arith.constant 0 : index
    %get3A_12 = arith.constant 0 : index
    %get3A_13 = vector.load %arg4[%get3A_11, %get3A_12] : memref<2048x1xf32, #tpu.memory_space<vmem>>, vector<2048x1xf32>
    %gt3A_14 = arith.constant 5.000000e-01 : f32
    %gt3A_15 = vector.broadcast %gt3A_14 : f32 to vector<2048x1xf32>
    %gt3A_16 = arith.cmpf ogt, %get3A_13, %gt3A_15 : vector<2048x1xf32>
    %get3A_17 = arith.constant 0 : index
    %get3A_18 = arith.constant 64 : index
    %get3A_19 = vector.load %arg2[%get3A_17, %get3A_18] : memref<2048x128xf32, #tpu.memory_space<vmem>>, vector<2048x64xf32>
    %get3A_20 = arith.constant 0 : index
    %get3A_21 = arith.constant 0 : index
    %get3A_22 = vector.load %arg2[%get3A_20, %get3A_21] : memref<2048x128xf32, #tpu.memory_space<vmem>>, vector<2048x64xf32>
    %broadcast_in_dim3A_23 = vector.shape_cast %gt3A_16 : vector<2048x1xi1> to vector<2048x1xi1>
    %broadcast_in_dim3A_24 = vector.broadcast %broadcast_in_dim3A_23 : vector<2048x1xi1> to vector<2048x64xi1>
    %select_n3A_25 = arith.select %broadcast_in_dim3A_24, %get3A_19, %get3A_22 : vector<2048x64xi1>, vector<2048x64xf32>
    %get3A_26 = arith.constant 0 : index
    %get3A_27 = arith.constant 0 : index
    %get3A_28 = vector.load %arg5[%get3A_26, %get3A_27] : memref<64x4xf32, #tpu.memory_space<vmem>>, vector<64x4xf32>
    %dot_general3A = arith.constant dense<0.000000e+00> : vector<2048x4xf32>
    %dot_general3A_29 = tpu.matmul %select_n3A, %get3A_28, %dot_general3A {dimension_numbers = #tpu.dot_dimension_numbers<[1], [0], [0], [1], [0, 0, 1, 1], [], []>, transpose_lhs_hint = false} : vector<2048x64xf32>, vector<64x4xf32>, vector<2048x4xf32> -> vector<2048x4xf32>
    %get3A_30 = arith.constant 0 : index
    %get3A_31 = arith.constant 0 : index
    %get3A_32 = vector.load %arg6[%get3A_30, %get3A_31] : memref<64x4xf32, #tpu.memory_space<vmem>>, vector<64x4xf32>
    %dot_general3A_33 = arith.constant dense<0.000000e+00> : vector<2048x4xf32>
    %dot_general3A_34 = tpu.matmul %select_n3A_25, %get3A_32, %dot_general3A_33 {dimension_numbers = #tpu.dot_dimension_numbers<[1], [0], [0], [1], [0, 0, 1, 1], [], []>, transpose_lhs_hint = false} : vector<2048x64xf32>, vector<64x4xf32>, vector<2048x4xf32> -> vector<2048x4xf32>
    %add3A = arith.addf %dot_general3A_29, %dot_general3A_34 : vector<2048x4xf32>
    %get3A_35 = arith.constant 0 : index
    %get3A_36 = arith.constant 0 : index
    %get3A_37 = vector.load %arg7[%get3A_35, %get3A_36] : memref<1x4xf32, #tpu.memory_space<vmem>>, vector<1x4xf32>
    %add3A_38 = vector.broadcast %get3A_37 : vector<1x4xf32> to vector<2048x4xf32>
    %add3A_39 = arith.addf %add3A, %add3A_38 : vector<2048x4xf32>
    %logistic3A = arith.negf %add3A_39 : vector<2048x4xf32>
    %logistic3A_40 = math.exp %logistic3A : vector<2048x4xf32>
    %logistic3A_41 = arith.constant 1.000000e+00 : f32
    %logistic3A_42 = vector.broadcast %logistic3A_41 : f32 to vector<2048x4xf32>
    %logistic3A_43 = arith.addf %logistic3A_42, %logistic3A_40 : vector<2048x4xf32>
    %logistic3A_44 = arith.divf %logistic3A_42, %logistic3A_43 : vector<2048x4xf32>
    %swap3A = arith.constant 0 : index
    %swap3A_45 = arith.constant 0 : index
    %swap3A_46 = vector.load %arg16[%swap3A, %swap3A_45] : memref<2048x4xf32, #tpu.memory_space<vmem>>, vector<2048x4xf32>
    tpu.vector_store %arg16[%swap3A, %swap3A_45], %logistic3A_44 {strides = array<i32>} : memref<2048x4xf32, #tpu.memory_space<vmem>>, vector<2048x4xf32>,
    %mul3A = arith.constant 1.500000e+00 : f32
    %mul3A_47 = vector.broadcast %mul3A : f32 to vector<2048x4xf32>
    %mul3A_48 = arith.mulf %mul3A_47, %logistic3A_44 : vector<2048x4xf32>
    %get3A_49 = arith.constant 0 : index
    %get3A_50 = arith.constant 0 : index
    %get3A_51 = vector.load %arg14[%get3A_49, %get3A_50] : memref<1x4xf32, #tpu.memory_space<vmem>>, vector<1x4xf32>
    %mul3A_52 = arith.constant 5.000000e-01 : f32
    %mul3A_53 = vector.broadcast %mul3A_52 : f32 to vector<1x4xf32>
    %mul3A_54 = arith.mulf %mul3A_53, %get3A_51 : vector<1x4xf32>
    %sub3A = vector.broadcast %mul3A_54 : vector<1x4xf32> to vector<2048x4xf32>
    %sub3A_55 = arith.subf %mul3A_48, %sub3A : vector<2048x4xf32>
    %get3A_56 = arith.constant 0 : index
    %get3A_57 = arith.constant 0 : index
    %get3A_58 = vector.load %arg8[%get3A_56, %get3A_57] : memref<4x32xf32, #tpu.memory_space<vmem>>, vector<4x32xf32>
    %dot_general3A_59 = arith.constant dense<0.000000e+00> : vector<2048x32xf32>
    %dot_general3A_60 = tpu.matmul %sub3A_55, %get3A_58, %dot_general3A_59 {dimension_numbers = #tpu.dot_dimension_numbers<[1], [0], [0], [1], [0, 0, 1, 1], [], []>, transpose_lhs_hint = false} : vector<2048x4xf32>, vector<4x32xf32>, vector<2048x32xf32> -> vector<2048x32xf32>
    %get3A_61 = arith.constant 0 : index
    %get3A_62 = arith.constant 0 : index
    %get3A_63 = vector.load %arg9[%get3A_61, %get3A_62] : memref<1x32xf32, #tpu.memory_space<vmem>>, vector<1x32xf32>
    %add3A_64 = vector.broadcast %get3A_63 : vector<1x32xf32> to vector<2048x32xf32>
    %add3A_65 = arith.addf %dot_general3A_60, %add3A_64 : vector<2048x32xf32>
    %reduce_sum3A = arith.constant dense<0.000000e+00> : vector<2048xf32>
    %reduce_sum3A_66 = vector.multi_reduction <add>, %add3A_65, %reduce_sum3A [1] : vector<2048x32xf32> to vector<2048xf32>
    %broadcast_in_dim3A_67 = vector.shape_cast %reduce_sum3A_66 : vector<2048xf32> to vector<2048x1xf32>
    %div3A = arith.constant 3.200000e+01 : f32
    %div3A_68 = vector.broadcast %div3A : f32 to vector<2048x1xf32>
    %div3A_69 = arith.divf %broadcast_in_dim3A_67, %div3A_68 : vector<2048x1xf32>
    %sub3A_70 = vector.broadcast %div3A_69 : vector<2048x1xf32> to vector<2048x32xf32>
    %sub3A_71 = arith.subf %add3A_65, %sub3A_70 : vector<2048x32xf32>
    %integer_pow3A = arith.mulf %sub3A_71, %sub3A_71 : vector<2048x32xf32>
    %reduce_sum3A_72 = arith.constant dense<0.000000e+00> : vector<2048xf32>
    %reduce_sum3A_73 = vector.multi_reduction <add>, %integer_pow3A, %reduce_sum3A_72 [1] : vector<2048x32xf32> to vector<2048xf32>
    %broadcast_in_dim3A_74 = vector.shape_cast %reduce_sum3A_73 : vector<2048xf32> to vector<2048x1xf32>
    %div3A_75 = arith.constant 3.200000e+01 : f32
    %div3A_76 = vector.broadcast %div3A_75 : f32 to vector<2048x1xf32>
    %div3A_77 = arith.divf %broadcast_in_dim3A_74, %div3A_76 : vector<2048x1xf32>
    %sub3A_78 = vector.broadcast %div3A_69 : vector<2048x1xf32> to vector<2048x32xf32>
    %sub3A_79 = arith.subf %add3A_65, %sub3A_78 : vector<2048x32xf32>
    %add3A_80 = arith.constant 9.99999974E-6 : f32
    %add3A_81 = vector.broadcast %add3A_80 : f32 to vector<2048x1xf32>
    %add3A_82 = arith.addf %div3A_77, %add3A_81 : vector<2048x1xf32>
    %sqrt3A = math.sqrt %add3A_82 : vector<2048x1xf32>
    %div3A_83 = vector.broadcast %sqrt3A : vector<2048x1xf32> to vector<2048x32xf32>
    %div3A_84 = arith.divf %sub3A_79, %div3A_83 : vector<2048x32xf32>
    %get3A_85 = arith.constant 0 : index
    %get3A_86 = arith.constant 0 : index
    %get3A_87 = vector.load %arg10[%get3A_85, %get3A_86] : memref<1x32xf32, #tpu.memory_space<vmem>>, vector<1x32xf32>
    %mul3A_88 = vector.broadcast %get3A_87 : vector<1x32xf32> to vector<2048x32xf32>
    %mul3A_89 = arith.mulf %div3A_84, %mul3A_88 : vector<2048x32xf32>
    %get3A_90 = arith.constant 0 : index
    %get3A_91 = arith.constant 0 : index
    %get3A_92 = vector.load %arg11[%get3A_90, %get3A_91] : memref<1x32xf32, #tpu.memory_space<vmem>>, vector<1x32xf32>
    %add3A_93 = vector.broadcast %get3A_92 : vector<1x32xf32> to vector<2048x32xf32>
    %add3A_94 = arith.addf %mul3A_89, %add3A_93 : vector<2048x32xf32>
    %mul3A_95 = arith.constant 5.000000e-01 : f32
    %mul3A_96 = vector.broadcast %mul3A_95 : f32 to vector<2048x32xf32>
    %mul3A_97 = arith.mulf %mul3A_96, %add3A_94 : vector<2048x32xf32>
    %mul3A_98 = arith.constant 0.707106769 : f32
    %mul3A_99 = vector.broadcast %mul3A_98 : f32 to vector<2048x32xf32>
    %mul3A_100 = arith.mulf %add3A_94, %mul3A_99 : vector<2048x32xf32>
    %erf3A = math.erf %mul3A_100 : vector<2048x32xf32>
    %add3A_101 = arith.constant 1.000000e+00 : f32
    %add3A_102 = vector.broadcast %add3A_101 : f32 to vector<2048x32xf32>
    %add3A_103 = arith.addf %add3A_102, %erf3A : vector<2048x32xf32>
    %mul3A_104 = arith.mulf %mul3A_97, %add3A_103 : vector<2048x32xf32>
    %get3A_105 = arith.constant 0 : index
    %get3A_106 = arith.constant 0 : index
    %get3A_107 = vector.load %arg12[%get3A_105, %get3A_106] : memref<32x1xf32, #tpu.memory_space<vmem>>, vector<32x1xf32>
    %dot_general3A_108 = arith.constant dense<0.000000e+00> : vector<2048x1xf32>
    %dot_general3A_109 = tpu.matmul %mul3A_104, %get3A_107, %dot_general3A_108 {dimension_numbers = #tpu.dot_dimension_numbers<[1], [0], [0], [1], [0, 0, 1, 1], [], []>, transpose_lhs_hint = false} : vector<2048x32xf32>, vector<32x1xf32>, vector<2048x1xf32> -> vector<2048x1xf32>
    %get3A_110 = arith.constant 0 : index
    %get3A_111 = arith.constant 0 : index
    %get3A_112 = vector.load %arg13[%get3A_110, %get3A_111] : memref<1x1xf32, #tpu.memory_space<vmem>>, vector<1x1xf32>
    %add3A_113 = vector.broadcast %get3A_112 : vector<1x1xf32> to vector<2048x1xf32>
    %add3A_114 = arith.addf %dot_general3A_109, %add3A_113 : vector<2048x1xf32>
    %logistic3A_115 = arith.negf %add3A_114 : vector<2048x1xf32>
    %logistic3A_116 = math.exp %logistic3A_115 : vector<2048x1xf32>
    %logistic3A_117 = arith.constant 1.000000e+00 : f32
    %logistic3A_118 = vector.broadcast %logistic3A_117 : f32 to vector<2048x1xf32>
    %logistic3A_119 = arith.addf %logistic3A_118, %logistic3A_116 : vector<2048x1xf32>
    %logistic3A_120 = arith.divf %logistic3A_118, %logistic3A_119 : vector<2048x1xf32>
    %swap3A_121 = arith.constant 0 : index
    %swap3A_122 = arith.constant 0 : index
    %swap3A_123 = vector.load %arg15[%swap3A_121, %swap3A_122] : memref<2048x1xf32, #tpu.memory_space<vmem>>, vector<2048x1xf32>
    tpu.vector_store %arg15[%swap3A_121, %swap3A_122], %logistic3A_120 {strides = array<i32>} : memref<2048x1xf32, #tpu.memory_space<vmem>>, vector<2048x1xf32>,
    return
  }
  func.func @transform_0(%arg0: i32) -> (i32, i32) {
    %c0_i32 = arith.constant 0 : i32
    %c0_i32_0 = arith.constant 0 : i32
    return %arg0, %c0_i32 : i32, i32
  }
  func.func @transform_1(%arg0: i32) -> (i32, i32) {
    %c0_i32 = arith.constant 0 : i32
    %c0_i32_0 = arith.constant 0 : i32
    return %arg0, %c0_i32 : i32, i32
  }
  func.func @transform_2(%arg0: i32) -> (i32, i32) {
    %c0_i32 = arith.constant 0 : i32
    %c0_i32_0 = arith.constant 0 : i32
    return %arg0, %c0_i32 : i32, i32
  }
  func.func @transform_3(%arg0: i32) -> (i32, i32) {
    %c0_i32 = arith.constant 0 : i32
    %c0_i32_0 = arith.constant 0 : i32
    return %arg0, %c0_i32 : i32, i32
  }
  func.func @transform_4(%arg0: i32) -> (i32, i32) {
    %c0_i32 = arith.constant 0 : i32
    %c0_i32_0 = arith.constant 0 : i32
    %c0_i32_1 = arith.constant 0 : i32
    return %c0_i32, %c0_i32_0 : i32, i32
  }
  func.func @transform_5(%arg0: i32) -> (i32, i32) {
    %c0_i32 = arith.constant 0 : i32
    %c0_i32_0 = arith.constant 0 : i32
    %c0_i32_1 = arith.constant 0 : i32
    return %c0_i32, %c0_i32_0 : i32, i32
  }
  func.func @transform_6(%arg0: i32) -> (i32, i32) {
    %c0_i32 = arith.constant 0 : i32
    %c0_i32_0 = arith.constant 0 : i32
    %c0_i32_1 = arith.constant 0 : i32
    return %c0_i32, %c0_i32_0 : i32, i32
  }
  func.func @transform_7(%arg0: i32) -> (i32, i32) {
    %c0_i32 = arith.constant 0 : i32
    %c0_i32_0 = arith.constant 0 : i32
    %c0_i32_1 = arith.constant 0 : i32
    return %c0_i32, %c0_i32_0 : i32, i32
  }
  func.func @transform_8(%arg0: i32) -> (i32, i32) {
    %c0_i32 = arith.constant 0 : i32
    %c0_i32_0 = arith.constant 0 : i32
    %c0_i32_1 = arith.constant 0 : i32
    return %c0_i32, %c0_i32_0 : i32, i32
  }
  func.func @transform_9(%arg0: i32) -> (i32, i32) {
    %c0_i32 = arith.constant 0 : i32
    %c0_i32_0 = arith.constant 0 : i32
    %c0_i32_1 = arith.constant 0 : i32
    return %c0_i32, %c0_i32_0 : i32, i32
  }
  func.func @transform_10(%arg0: i32) -> (i32, i32) {
    %c0_i32 = arith.constant 0 : i32
    %c0_i32_0 = arith.constant 0 : i32
    %c0_i32_1 = arith.constant 0 : i32
    return %c0_i32, %c0_i32_0 : i32, i32
  }
  func.func @transform_11(%arg0: i32) -> (i32, i32) {
    %c0_i32 = arith.constant 0 : i32
    %c0_i32_0 = arith.constant 0 : i32
    %c0_i32_1 = arith.constant 0 : i32
    return %c0_i32, %c0_i32_0 : i32, i32
  }
  func.func @transform_12(%arg0: i32) -> (i32, i32) {
    %c0_i32 = arith.constant 0 : i32
    %c0_i32_0 = arith.constant 0 : i32
    %c0_i32_1 = arith.constant 0 : i32
    return %c0_i32, %c0_i32_0 : i32, i32
  }
  func.func @transform_13(%arg0: i32) -> (i32, i32) {
    %c0_i32 = arith.constant 0 : i32
    %c0_i32_0 = arith.constant 0 : i32
    %c0_i32_1 = arith.constant 0 : i32
    return %c0_i32, %c0_i32_0 : i32, i32
  }
  func.func @transform_14(%arg0: i32) -> (i32, i32) {
    %c0_i32 = arith.constant 0 : i32
    %c0_i32_0 = arith.constant 0 : i32
    return %arg0, %c0_i32 : i32, i32
  }
  func.func @transform_15(%arg0: i32) -> (i32, i32) {
    %c0_i32 = arith.constant 0 : i32
    %c0_i32_0 = arith.constant 0 : i32
    return %arg0, %c0_i32 : i32, i32
  }
}

</mosaic_0001>

<sc_bundles>
// kernel: kernel.5.cloned.1.call-start
scs
__scs_entry_jumppad:
0x0: {  	(pc) =	sbr.rel $0x88, $3  }
0x1: {  	(tag) =	ssettag $0x0;
	lr =	simm.s32 $0x1  }
0x2: {  	[smem:$0x3F95] =	sst lr;
	_ =	strace $0xD0000000  }
0x3: {  	_ = 	snop  }
0x4: {  	_ = 	snop  }
0x5: {  	_ = 	snop  }
0x6: {  	_ = 	snop  }
0x7: {  	_ = 	snop  }
__scs_overlays_trampoline_lowered:
0x8: {  	[smem:$0x3FA4] =	sst s0  }
0x9: {  	[smem:$0x3FA5] =	sst s1  }
0xa: {  	[smem:$0x3FA6] =	sst s2  }
0xb: {  	[smem:$0x3FA7] =	sst s3  }
0xc: {  	[smem:$0x3FA8] =	sst s4  }
0xd: {  	[smem:$0x3FA9] =	sst s5  }
0xe: {  	[smem:$0x3FAA] =	sst s6  }
0xf: {  	[smem:$0x3FAB] =	sst s7  }
0x10: {  	[smem:$0x3FAC] =	sst s8  }
0x11: {  	[smem:$0x3FAD] =	sst s9;
	s0 =	simm.s32 @!p0 $0x0  }
0x12: {  	s1 =	sld [smem:$0x3F93];
	s0 =	simm.s32 @p0 $0x1  }
0x13: {  	[smem:$0x3FAE] =	sst s0;
	s0 =	simm.s32 @!p1 $0x0  }
0x14: {  	s2 =	sld [smem:$0x3F92];
	s0 =	simm.s32 @p1 $0x1  }
0x15: {  	[smem:$0x3FAF] =	sst s0;
	s0 =	simm.s32 @!p2 $0x0  }
0x16: {  	s3 =	sld [smem:$0x3FDB];
	s0 =	simm.s32 @p2 $0x1  }
0x17: {  	s4 =	simm.s32 $0x1BF5;
	[smem:$0x3FB1] =	sst s0  }
0x18: {  	s0 =	sld [smem:$0x3F94];
	_ =	swait.ge [sflag:s4], $0x0  }
0x19: {  	s7 =	sld [smem:$0x3F95]  }
0x1a: {  	s8 =	sadd.s32 $0xFFFFE003, lr  }
0x1b: {  	s9 =	sadd.s32 $0xFFFFFEF7, lr;
	s5 =	simm.s32 $0xFFFFFFFF;
	p2 =	slt.u32 s8, $0xFFFFF086  }
0x1c: {  	p1 =	slt.u32 s9, $0xF7A;
	s5 =	simm.s32 @!p2 $0x0  }
0x1d: {  	s5 =	simm.s32 @p1 $0x1;
	p0 =	seq.s32 s7, s2  }
0x1e: {  	s7 =	smul.u32 @!p0 $0xF7A, s2;
	p2 =	seq.s32 @!p0 s5, $0x0  }
0x1f: {  	s9 =	smul.u32 $0xF7A, s1;
	s8 =	simm.s32 @!p0 $0x1BF5;
	p2 =	por !p2, p0  }
0x20: {  	[sflag:s8] =	ssyncset.s32 @!p0 $0xFFFFF086;
	s6 =	sadd.s32 @!p0 s3, s7;
	s7 =	simm.s32 @!p0 $0x108  }
0x21: {  	s3 =	sadd.s32 s3, s9;
	s6 =	sadd.s32 @!p0 $0x88, s6;
	s7 =	simm.s32 @p2 $0x1082  }
0x22: {  	[simem:s7], [sflag:s8] =	dma.local @!p0 [hbm:s6], $0xF7A  }
0x23: {  	s9 =	sor.u32 $0xD0000000, s2;
	s6 =	simm.s32 $0x108;
	_ =	swait.ge @!p0 [sflag:s8], $0x0  }
0x24: {  	s3 =	sadd.s32 $0x88, s3;
	s6 =	simm.s32 @!p1 $0x1082;
	[sflag:s4] =	ssyncset.s32 $0xFFFFF086  }
0x25: {  	[simem:s6], [sflag:s4] =	dma.local [hbm:s3], $0xF7A  }
0x26: {  	[smem:$0x3F95] =	sst s1;
	(tag) =	ssettag s2;
	_ =	strace s9  }
0x27: {  	s1 =	sld [smem:$0x3FA5]  }
0x28: {  	s2 =	sld [smem:$0x3FA6]  }
0x29: {  	s4 =	sld [smem:$0x3FA8]  }
0x2a: {  	p0 =	seq.s32 s5, $0x0;
	s5 =	sld [smem:$0x3FA9]  }
0x2b: {  	s6 =	sld [smem:$0x3FAA]  }
0x2c: {  	s7 =	sld [smem:$0x3FAB]  }
0x2d: {  	s3 =	simm.s32 $0x108;
	s8 =	sld [smem:$0x3FAC]  }
0x2e: {  	s3 =	simm.s32 @!p0 $0x1082;
	s9 =	sld [smem:$0x3FAD]  }
0x2f: {  	lr =	sadd.s32 s0, s3;
	s0 =	sld [smem:$0x3FA4]  }
0x30: {  	s3 =	sld [smem:$0x3FA7]  }
0x31: {  	[smem:$0x3FB0] =	sst s10  }
0x32: {  	s10 =	sld [smem:$0x3FAE];
	_ =	sdelay $0x3  }
0x33: {  	p0 =	seq.s32 s10, $0x1;
	s10 =	sld [smem:$0x3FB0];
	_ =	sdelay $0x3  }
0x34: {  	[smem:$0x3FB0] =	sst s10  }
0x35: {  	s10 =	sld [smem:$0x3FAF];
	_ =	sdelay $0x3  }
0x36: {  	p1 =	seq.s32 s10, $0x1;
	s10 =	sld [smem:$0x3FB0];
	_ =	sdelay $0x3  }
0x37: {  	[smem:$0x3FB0] =	sst s10  }
0x38: {  	s10 =	sld [smem:$0x3FB1]  }
0x39: {  	_ = 	snop;
	(pc) =	sbr.ind lr, $3  }
0x3a: {  	_ = 	snop  }
0x3b: {  	_ = 	snop  }
0x3c: {  	p2 =	seq.s32 s10, $0x1;
	s10 =	sld [smem:$0x3FB0]  }
0x3d: {  	_ =	shalt  }
0x3e: {  	_ =	shalt  }
0x3f: {  	_ =	shalt  }
0x40: {  	_ =	shalt  }
0x41: {  	_ =	shalt  }
0x42: {  	_ =	shalt  }
0x43: {  	_ =	shalt  }
0x44: {  	_ =	shalt  }
0x45: {  	_ =	shalt  }
0x46: {  	_ =	shalt  }
0x47: {  	_ =	shalt  }
0x48: {  	_ =	shalt  }
0x49: {  	_ =	shalt  }
0x4a: {  	_ =	shalt  }
0x4b: {  	_ =	shalt  }
0x4c: {  	_ =	shalt  }
0x4d: {  	_ =	shalt  }
0x4e: {  	_ =	shalt  }
0x4f: {  	_ =	shalt  }
0x50: {  	_ =	shalt  }
0x51: {  	_ =	shalt  }
0x52: {  	_ =	shalt  }
0x53: {  	_ =	shalt  }
0x54: {  	_ =	shalt  }
0x55: {  	_ =	shalt  }
0x56: {  	_ =	shalt  }
0x57: {  	_ =	shalt  }
0x58: {  	_ =	shalt  }
0x59: {  	_ =	shalt  }
0x5a: {  	_ =	shalt  }
0x5b: {  	_ =	shalt  }
0x5c: {  	_ =	shalt  }
0x5d: {  	_ =	shalt  }
0x5e: {  	_ =	shalt  }
0x5f: {  	_ =	shalt  }
0x60: {  	_ =	shalt  }
0x61: {  	_ =	shalt  }
0x62: {  	_ =	shalt  }
0x63: {  	_ =	shalt  }
0x64: {  	_ =	shalt  }
0x65: {  	_ =	shalt  }
0x66: {  	_ =	shalt  }
0x67: {  	_ =	shalt  }
0x68: {  	_ =	shalt  }
0x69: {  	_ =	shalt  }
0x6a: {  	_ =	shalt  }
0x6b: {  	_ =	shalt  }
0x6c: {  	_ =	shalt  }
0x6d: {  	_ =	shalt  }
0x6e: {  	_ =	shalt  }
0x6f: {  	_ =	shalt  }
0x70: {  	_ =	shalt  }
0x71: {  	_ =	shalt  }
0x72: {  	_ =	shalt  }
0x73: {  	_ =	shalt  }
0x74: {  	_ =	shalt  }
0x75: {  	_ =	shalt  }
0x76: {  	_ =	shalt  }
0x77: {  	_ =	shalt  }
0x78: {  	_ =	shalt  }
0x79: {  	_ =	shalt  }
0x7a: {  	_ =	shalt  }
0x7b: {  	_ =	shalt  }
0x7c: {  	_ =	shalt  }
0x7d: {  	_ =	shalt  }
0x7e: {  	_ =	shalt  }
0x7f: {  	_ =	shalt  }
0x80: {  	_ =	shalt  }
0x81: {  	_ =	shalt  }
0x82: {  	_ =	shalt  }
0x83: {  	_ =	shalt  }
0x84: {  	_ =	shalt  }
0x85: {  	_ =	shalt  }
0x86: {  	_ =	shalt  }
0x87: {  	_ =	shalt  }
.Lfunc_end0:
.L_simem_size_0:
called_computation_lowered:
.L_overlay_start_0:
0x88: {  	s2 =	sld [smem:$0x3FD9]  }
0x89: {  	s3 =	sld [smem:$0x3FFE];
	_ =	sdelay $0x1  }
0x8a: {  	s1 =	srdreg.scid  }
0x8b: {  	s0 =	sand.u32 $0x1, s1  }
0x8c: {  	s17 =	sshll.u32 s0, $0xA;
	s2 =	sadd.s32 s3, s2  }
0x8d: {  	s2 =	sadd.s32 s2, s17  }
0x8e: {  	[smem:$0x3FBC] =	sst s2  }
0x8f: {  	_ = 	snop  }
0x90: {  	s2 =	sld [smem:$0x3FC9]  }
0x91: {  	s18 =	sld [smem:$0x3FC8];
	(tm) =	ssettm $0x1  }
0x92: {  	s4 =	sld [smem:$0x3FFB];
	_ =	sdelay $0x3  }
0x93: {  	_ =	strace s4  }
0x94: {  	s4 =	sld [smem:$0x3FFC];
	_ =	sdelay $0x3  }
0x95: {  	_ =	strace s4  }
0x96: {  	s4 =	sld [smem:$0x3FFD];
	_ =	sdelay $0x3  }
0x97: {  	_ =	strace s4  }
0x98: {  	_ =	strace $0x8FFFFFFF  }
0x99: {  	s19 =	sld [smem:$0x3FDB];
	_ =	sdelay $0x1  }
0x9a: {  	s5 =	simm.s32 $_scs_section_size  }
0x9b: {  	s6 =	simm.s32 $_size__tile_overlayer_lowered;
	s7 =	simm.s32 $_tile_overlayer_lowered  }
0x9c: {  	s22 =	simm.s32 $0x1BFF;
	s21 =	sshll.u32 s7, $0x1;
	s4 =	sadd.s32 s5, s19  }
0x9d: {  	s8 =	simm.s32 $0x0;
	s20 =	sshll.u32 s6, $0x1;
	s6 =	sadd.s32 s21, s4  }
0x9e: {  	[timem:s8], [sflag:s22] =	dma.local [hbm:s6], s20  }
0x9f: {  	_ =	swait.ge [sflag:s22], s20  }
0xa0: {  	s5 =	ssub.s32 $0x0, s20;
	[sflag:s22] =	ssyncset.done $0x0  }
0xa1: {  	[sflag:s22] =	ssyncadd.s32 s5;
	_ =	sdelay $0x1  }
0xa2: {  	s23 =	simm.s32 $0x1B8B  }
0xa3: {  	_ =	swait.ge [sflag:s23], $0x1  }
0xa4: {  	[sflag:s23] =	ssyncset.done $0x0  }
0xa5: {  	s25 =	simm.s32 $0x1B8E;
	s24 =	sld [smem:$0x3FFE];
	[sflag:s23] =	ssyncadd.s32 $0xFFFFFFFF  }
0xa6: {  	s26 =	simm.s32 $execute0_lowered;
	[smem:$0x3FD2] =	sst s25  }
0xa7: {  	s6 =	sshll.u32 s26, $0x1;
	_ =	strace $0x80000046;
	[dreg:$0x1] =	wrdreg $0xFFFFFFFF  }
0xa8: {  	s28 =	simm.s32 $_size_execute0_lowered;
	s4 =	sadd.s32 s4, s6;
	[dreg:$0x0] =	wrdreg $0x0  }
0xa9: {  	s6 =	sshll.u32 s28, $0x1;
	[dreg:$0x2] =	wrdreg s4  }
0xaa: {  	[dreg:$0x3] =	wrdreg s6  }
0xab: {  	[dreg:$0x4] =	wrdreg $0xC0  }
0xac: {  	_ =	task [dreg:s8], $0x5FFFF  }
0xad: {  	[dreg:$0x1] =	wrdreg $0xFFFFFFFF  }
0xae: {  	[dreg:$0x0] =	wrdreg $0x60  }
0xaf: {  	[dreg:$0x2] =	wrdreg s24  }
0xb0: {  	[dreg:$0x3] =	wrdreg s2  }
0xb1: {  	[dreg:$0x4] =	wrdreg s18  }
0xb2: {  	[dreg:$0x5] =	wrdreg $0x9  }
0xb3: {  	_ =	task.clear_ibuf [dreg:s8], $0x6FFFF;
	_ =	strace $0x90000046  }
0xb4: {  	s29 =	simm.s32 $0x9;
	_ =	strace $0x80000048  }
0xb5: {  	_ =	swait.ge [sflag:s29], $0x1  }
0xb6: {  	[sflag:s29] =	ssyncadd.s32 $0xFFFFFFFF  }
0xb7: {  	_ =	strace $0x90000048  }
0xb8: {  	_ =	sfence  }
0xb9: {  	s30 =	sld [smem:$0x0];
	_ =	sdelay $0x2  }
0xba: {  	s31 =	sshll.u32 s1, $0xD;
	s1 =	sshrl.u32 s1, $0x2  }
0xbb: {  	s3 =	sand.u32 $0x4000, s31;
	s1 =	sadd.s32 s1, s30  }
0xbc: {  	s0 =	sor.u32 s3, s0;
	s1 =	sshll.u32 s1, $0x11  }
0xbd: {  	s0 =	sor.u32 s1, s0  }
0xbe: {  	s0 =	sadd.s32 $0x8F2B, s0  }
0xbf: {  	[sflag:s0] =	ssyncadd.remote.s32 $0x1  }
0xc0: {  	_ =	sfence.sel $0xFFFF  }
0xc1: {  	[dreg:$0x0] =	wrdreg $0xFFFFFFFF;
	(pc) =	sbr.abs _section_cstart, $3  }
0xc2: {  	[dreg:$0x1] =	wrdreg $0xFFFFFFFF  }
0xc3: {  	_ =	task.clear_ibuf [dreg:s8], $0x2FFFF;
	_ =	strace $0x9FFFFFFF  }
0xc4: {  	(tm) =	ssettm $0x7FFFFFFF  }
0xc5: {  	_ =	shalt  }
tec
execute0_lowered:
.L_overlay_start_1:
0x0: {  	(tag) =	ssettag $0x1  }
0x1: {  	s4 =	rddreg [dreg:$0x0]  }
0x2: {  	s5 =	rddreg [dreg:$0x1]  }
0x3: {  	s7 =	rddreg [dreg:$0x2]  }
0x4: {  	s0 =	rddreg [dreg:$0x3];
	s1 =	simm.s32 $0x0  }
0x5: {  	s6 =	srdreg.scid;
	s2 =	stileid.u32;
	s14 =	simm.s32 $0x400  }
0x6: {  	s15 =	simm.s32 $0x300;
	s16 =	simm.s32 $0x8400;
	s17 =	simm.s32 $0x1  }
0x7: {  	s18 =	simm.s32 $0x2;
	s19 =	simm.s32 $0x0;
	[smem:$0x7FF] =	sst s1  }
0x8: {  	s3 =	sadd.s32 $0x2000, s4;
	s6 =	sand.u32 $0x1, s6;
	s8 =	sadd.s32 $0x7C2000, s4  }
0x9: {  	s9 =	sshll.u32 s2, $0xA;
	s11 =	sadd.s32 $0x802000, s4;
	s10 =	sshll.u32 s6, $0x9  }
0xa: {  	_ =	strace $0x80000047;
	s28 =	ssub.s32 $0x2, s6;
	s29 =	sor.u32 s10, s9  }
0xb: {  	s30 =	sshrl.u32 s28, $0x1;
	s10 =	sshrl.u32 s29, $0x3;
	s12 =	sshll.u32 s29, $0x4  }
0xc: {  	s13 =	ssub.s32 s28, s30;
	s4 =	sadd.s32 s5, s10;
	s31 =	sor.u32 $0x1000, s12  }
0xd: {  	s5 =	sadd.s32 s8, s12;
	s7 =	sadd.s32 s7, s10;
	s10 =	smax.u32 s13, $0x1  }
0xe: {  	s13 =	simm.s32 $0x200;
	s6 =	sadd.s32 s8, s31;
	s8 =	sadd.s32 s11, s12  }
0xf: {  	s9 =	sadd.s32 s11, s31;
	s11 =	simm.s32 $0x3;
	s12 =	simm.s32 $0x100  }
.LBB2_1:
0x10: {  	[tilespmem:s1], [sflag:$0x3] =	stream.linear.gather [hbm4b:s4+s1], $0x200, $0x38;
	[tilespmem:$0x10400] =	vst v63  }
0x11: {  	_ =	swait.ge [sflag:s11], $0x200  }
0x12: {  	[sflag:s11] =	ssyncset.done $0x0  }
0x13: {  	s20 =	simm.s32 $0x0;
	[sflag:s11] =	ssyncadd.s32 $0xFFFFFE00  }
0x14: {  	s21 =	simm.s32 $0x40;
	v0 =	vld [tilespmem:s20+$0x0]  }
.LBB2_2:
0x15: {  	_ =	sdelay $0x1  }
0x16: {  	p0 =	sne.s32 s21, $0x3C0  }
.Ltmp0:
0x17: {  	_ = 	snop;
	(pc) =	sbr.rel @p0 .LBB2_2-.Ltmp0, $4  }
0x18: {  	v1 =	vshrl.u32 v0, $0x1  }
0x19: {  	v2 =	vand.u32 $0x1FFF, v0;
	v1 =	vand.u32 $0x7FFFE000, v1  }
0x1a: {  	s22 =	sshra.s32 s21, $0x2;
	v1 =	vor.u32 v2, v1  }
0x1b: {  	s21 =	sadd.s32 $0x40, s21;
	v0 =	vld [tilespmem:s22+$0x0];
	[tilespmem:s20+$0x200] =	vst v1;
	s20 =	smov.u32 s22  }
0x1c: {  	_ =	sdelay $0x3  }
0x1d: {  	v1 =	vshrl.u32 v0, $0x1  }
0x1e: {  	v62 =	vand.u32 $0x1FFF, v0;
	v1 =	vand.u32 $0x7FFFE000, v1  }
0x1f: {  	s31 =	simm.s32 $0x0;
	v0 =	vor.u32 v62, v1  }
0x20: {  	[tilespmem:s20+$0x200] =	vst v0;
	s20 =	sand.u32 $0xF0, s31  }
0x21: {  	[tilespmem:s14], [sflag:$0x1] =	stream.indirect.gather [hbm4b:s3+s12], $0x80, s13, s12, $0xb8;
	[tilespmem:$0x10400] =	vst v63  }
0x22: {  	v0 =	vld [tilespmem:s20+$0x100];
	_ =	sdelay $0x4  }
0x23: {  	v63 =	vshrl.u32 v0, $0x1  }
0x24: {  	v0 =	vand.u32 $0x1FFF, v0;
	v1 =	vand.u32 $0x7FFFE000, v63  }
0x25: {  	s21 =	simm.s32 $0x10;
	s20 =	simm.s32 $0x300;
	v0 =	vor.u32 v0, v1  }
0x26: {  	s22 =	sand.u32 $0xF0, s21;
	s21 =	simm.s32 $0x20;
	[tilespmem:s20+$0x0] =	vst v0  }
.LBB2_4:
0x27: {  	p0 =	sne.s32 s21, $0xF0;
	v0 =	vld [tilespmem:s22+$0x100];
	_ =	sdelay $0x3  }
.Ltmp1:
0x28: {  	(pc) =	sbr.rel @p0 .LBB2_4-.Ltmp1, $4  }
0x29: {  	v1 =	vshrl.u32 v0, $0x1  }
0x2a: {  	v0 =	vand.u32 $0x1FFF, v0;
	v1 =	vand.u32 $0x7FFFE000, v1  }
0x2b: {  	s20 =	sadd.s32 $0x10, s20;
	v0 =	vor.u32 v0, v1  }
0x2c: {  	s22 =	sand.u32 $0xF0, s21;
	s21 =	sadd.s32 $0x10, s21;
	[tilespmem:s20+$0x0] =	vst v0  }
0x2d: {  	v0 =	vld [tilespmem:s22+$0x100];
	_ =	sdelay $0x4  }
0x2e: {  	v1 =	vshrl.u32 v0, $0x1  }
0x2f: {  	v0 =	vand.u32 $0x1FFF, v0;
	v1 =	vand.u32 $0x7FFFE000, v1  }
0x30: {  	s20 =	sadd.s32 $0x10, s20;
	v0 =	vor.u32 v0, v1  }
0x31: {  	[tilespmem:s20+$0x0] =	vst v0  }
0x32: {  	[tilespmem:s16], [sflag:$0x2] =	stream.indirect.gather [hbm4b:s3+s12], $0x80, s15, s12, $0xb8;
	[tilespmem:$0x10400] =	vst v63  }
0x33: {  	_ =	swait.ge [sflag:s17], $0x8000  }
0x34: {  	[sflag:s17] =	ssyncset.done $0x0  }
0x35: {  	s31 =	simm.s32 $0x0;
	[sflag:s17] =	ssyncadd.s32 $0xFFFF8000  }
0x36: {  	[hbm4b:s5+s31] =	stream.linear.scatter [tilespmem:s14], [sflag:$0x3], $0x8000, $0x38;
	[tilespmem:$0x10400] =	vst v63  }
0x37: {  	_ =	swait.ge [sflag:s11], $0x8000  }
0x38: {  	[sflag:s11] =	ssyncset.done $0x0  }
0x39: {  	[sflag:s11] =	ssyncadd.s32 $0xFFFF8000  }
0x3a: {  	_ =	swait.ge [sflag:s18], $0x8000  }
0x3b: {  	[sflag:s18] =	ssyncset.done $0x0  }
0x3c: {  	[sflag:s18] =	ssyncadd.s32 $0xFFFF8000  }
0x3d: {  	[hbm4b:s6+s31] =	stream.linear.scatter [tilespmem:s16], [sflag:$0x3], $0x8000, $0x38;
	[tilespmem:$0x10400] =	vst v63  }
0x3e: {  	_ =	swait.ge [sflag:s11], $0x8000  }
0x3f: {  	[sflag:s11] =	ssyncset.done $0x0  }
0x40: {  	[sflag:s11] =	ssyncadd.s32 $0xFFFF8000  }
0x41: {  	[tilespmem:s31], [sflag:$0x3] =	stream.linear.gather [hbm4b:s7+s31], $0x200, $0x38;
	[tilespmem:$0x10400] =	vst v63  }
0x42: {  	_ =	swait.ge [sflag:s11], $0x200  }
0x43: {  	[sflag:s11] =	ssyncset.done $0x0  }
0x44: {  	s20 =	simm.s32 $0x0;
	[sflag:s11] =	ssyncadd.s32 $0xFFFFFE00  }
0x45: {  	s21 =	simm.s32 $0x40;
	v0 =	vld [tilespmem:s20+$0x0]  }
.LBB2_6:
0x46: {  	_ =	sdelay $0x1  }
0x47: {  	p0 =	sne.s32 s21, $0x3C0  }
.Ltmp2:
0x48: {  	_ = 	snop;
	(pc) =	sbr.rel @p0 .LBB2_6-.Ltmp2, $4  }
0x49: {  	v1 =	vshrl.u32 v0, $0x1  }
0x4a: {  	v2 =	vand.u32 $0x1FFF, v0;
	v1 =	vand.u32 $0x7FFFE000, v1  }
0x4b: {  	s22 =	sshra.s32 s21, $0x2;
	v1 =	vor.u32 v2, v1  }
0x4c: {  	s21 =	sadd.s32 $0x40, s21;
	v0 =	vld [tilespmem:s22+$0x0];
	[tilespmem:s20+$0x200] =	vst v1;
	s20 =	smov.u32 s22  }
0x4d: {  	_ =	sdelay $0x3  }
0x4e: {  	v1 =	vshrl.u32 v0, $0x1  }
0x4f: {  	v62 =	vand.u32 $0x1FFF, v0;
	v1 =	vand.u32 $0x7FFFE000, v1  }
0x50: {  	s31 =	simm.s32 $0x0;
	v0 =	vor.u32 v62, v1  }
0x51: {  	[tilespmem:s20+$0x200] =	vst v0;
	s20 =	sand.u32 $0xF0, s31  }
0x52: {  	[tilespmem:s14], [sflag:$0x1] =	stream.indirect.gather [hbm4b:s3+s12], $0x80, s13, s12, $0xb8;
	[tilespmem:$0x10400] =	vst v63  }
0x53: {  	v0 =	vld [tilespmem:s20+$0x100];
	_ =	sdelay $0x4  }
0x54: {  	v63 =	vshrl.u32 v0, $0x1  }
0x55: {  	v0 =	vand.u32 $0x1FFF, v0;
	v1 =	vand.u32 $0x7FFFE000, v63  }
0x56: {  	s21 =	simm.s32 $0x10;
	s20 =	simm.s32 $0x300;
	v0 =	vor.u32 v0, v1  }
0x57: {  	s22 =	sand.u32 $0xF0, s21;
	s21 =	simm.s32 $0x20;
	[tilespmem:s20+$0x0] =	vst v0  }
.LBB2_8:
0x58: {  	p0 =	sne.s32 s21, $0xF0;
	v0 =	vld [tilespmem:s22+$0x100];
	_ =	sdelay $0x3  }
.Ltmp3:
0x59: {  	(pc) =	sbr.rel @p0 .LBB2_8-.Ltmp3, $4  }
0x5a: {  	v1 =	vshrl.u32 v0, $0x1  }
0x5b: {  	v0 =	vand.u32 $0x1FFF, v0;
	v1 =	vand.u32 $0x7FFFE000, v1  }
0x5c: {  	s20 =	sadd.s32 $0x10, s20;
	v0 =	vor.u32 v0, v1  }
0x5d: {  	s22 =	sand.u32 $0xF0, s21;
	s21 =	sadd.s32 $0x10, s21;
	[tilespmem:s20+$0x0] =	vst v0  }
0x5e: {  	v0 =	vld [tilespmem:s22+$0x100];
	_ =	sdelay $0x4  }
0x5f: {  	v1 =	vshrl.u32 v0, $0x1  }
0x60: {  	v0 =	vand.u32 $0x1FFF, v0;
	v1 =	vand.u32 $0x7FFFE000, v1  }
0x61: {  	s20 =	sadd.s32 $0x10, s20;
	v0 =	vor.u32 v0, v1  }
0x62: {  	[tilespmem:s20+$0x0] =	vst v0  }
0x63: {  	[tilespmem:s16], [sflag:$0x2] =	stream.indirect.gather [hbm4b:s3+s12], $0x80, s15, s12, $0xb8;
	[tilespmem:$0x10400] =	vst v63  }
0x64: {  	_ =	swait.ge [sflag:s17], $0x8000  }
0x65: {  	[sflag:s17] =	ssyncset.done $0x0  }
0x66: {  	[sflag:s17] =	ssyncadd.s32 $0xFFFF8000  }
0x67: {  	[hbm4b:s8+s1] =	stream.linear.scatter [tilespmem:s14], [sflag:$0x3], $0x8000, $0x38;
	[tilespmem:$0x10400] =	vst v63  }
0x68: {  	_ =	swait.ge [sflag:s11], $0x8000  }
0x69: {  	[sflag:s11] =	ssyncset.done $0x0  }
0x6a: {  	[sflag:s11] =	ssyncadd.s32 $0xFFFF8000  }
0x6b: {  	s19 =	sadd.s32 $0x1, s19;
	_ =	swait.ge [sflag:s18], $0x8000  }
0x6c: {  	p0 =	sne.s32 s19, s10;
	[sflag:s18] =	ssyncset.done $0x0  }
.Ltmp4:
0x6d: {  	[sflag:s18] =	ssyncadd.s32 $0xFFFF8000;
	(pc) =	sbr.rel @p0 .LBB2_1-.Ltmp4, $4  }
0x6e: {  	[hbm4b:s9+s1] =	stream.linear.scatter [tilespmem:s16], [sflag:$0x3], $0x8000, $0x38;
	[tilespmem:$0x10400] =	vst v63  }
0x6f: {  	_ =	swait.ge [sflag:s11], $0x8000  }
0x70: {  	[sflag:s11] =	ssyncset.done $0x0  }
0x71: {  	[sflag:s11] =	ssyncadd.s32 $0xFFFF8000  }
0x72: {  	_ =	sfence.sel $0x180000  }
0x73: {  	[bflag:$0x0] =	sbarrier.arrive $0xFFFF  }
0x74: {  	p0 =	sne.s32 s2, $0x0;
	_ =	strace $0x90000047  }
0x75: {  	s0 =	sadd.s32 @!p0 $0x100000, s0;
	[bflag:$0x2] =	sbarrier.arrive $0xFFFF  }
0x76: {  	[sflag:s0] =	ssyncadd.tile.s32 @!p0 $0x1;
	_ =	shalt  }
.Lfunc_end2:
_tile_overlayer_lowered:
.L_overlay_start_2:
0x77: {  	(tag) =	ssettag $0x2  }
0x78: {  	s0 =	rddreg [dreg:$0x0];
	s2 =	stileid.u32  }
0x79: {  	s1 =	rddreg [dreg:$0x1];
	p0 =	sne.s32 s2, $0x0  }
0x7a: {  	s3 =	rddreg [dreg:$0x2];
	[bflag:$0x3] =	sbarrier.arrive $0xFFFF;
	s2 =	simm.s32 @!p0 $0x1C03  }
0x7b: {  	[timem:s3], [sflag:s2] =	dma.local @!p0 [hbm:s0], s1  }
0x7c: {  	s0 =	simm.s32 @!p0 $0x3  }
0x7d: {  	_ =	swait.ge @!p0 [sflag:s0], s1  }
0x7e: {  	s1 =	ssub.s32 @!p0 $0x0, s1;
	[sflag:s0] =	ssyncset.done @!p0 $0x0  }
0x7f: {  	[sflag:s0] =	ssyncadd.s32 @!p0 s1  }
0x80: {  	[bflag:$0x3] =	sbarrier.arrive $0xFFFF  }
0x81: {  	_ =	shalt  }

</sc_bundles>
